<compile_context>
chip_gen: v7x
topology: tpu7x:2x2x1
jax: 0.10.2.dev20260603
libtpu: 0.0.44.dev20260713+nightly
codegen_flags: <defaults>
</compile_context>

<pallas_src>
import functools

import jax
import jax.numpy as jnp
from jax import lax
from jax.experimental import pallas as pl
from jax.experimental.pallas import tpu as pltpu
from jax.experimental.pallas import tpu_sc as plsc

NUM_HEADS = 16
SEQ = 2048
TBL = 2 * SEQ - 1
WPAD = 4112
RBLK = 16
CHUNK = 16
NBLK = (SEQ // 2) // RBLK


def _assemble(rev_v, buf_v, kb):

    def row(r, carry):
        src0 = kb - r
        dst0 = r * SEQ

        @plsc.parallel_loop(0, SEQ // CHUNK, unroll=8)
        def chunk(c):
            o = c * CHUNK
            buf_v[pl.ds(dst0 + o, CHUNK)] = rev_v[pl.ds(src0 + o, CHUNK)]

        return carry

    lax.fori_loop(0, RBLK, row, 0, unroll=False)


def _sc_body(revs_hbm, out_hbm, rev_v, buf0, buf1, sem0, sem1):
    h = lax.axis_index("s")
    half = lax.axis_index("c")
    pltpu.sync_copy(revs_hbm.at[pl.ds(h * WPAD, WPAD)], rev_v)

    base_i = half * (SEQ // 2)
    out_base = h * (SEQ * SEQ)
    kbase = 2047 - base_i

    def start_block(buf, sem, b):
        pltpu.make_async_copy(
            buf,
            out_hbm.at[pl.ds(out_base + (base_i + b * RBLK) * SEQ, RBLK * SEQ)],
            sem,
        ).start()

    def wait_block(buf, sem):
        pltpu.make_async_copy(buf, out_hbm.at[pl.ds(out_base, RBLK * SEQ)], sem).wait()

    _assemble(rev_v, buf0, kbase)
    start_block(buf0, sem0, 0)
    _assemble(rev_v, buf1, kbase - RBLK)
    start_block(buf1, sem1, 1)

    def body(t, carry):
        b0 = 2 * t
        wait_block(buf0, sem0)
        _assemble(rev_v, buf0, kbase - b0 * RBLK)
        start_block(buf0, sem0, b0)
        wait_block(buf1, sem1)
        _assemble(rev_v, buf1, kbase - (b0 + 1) * RBLK)
        start_block(buf1, sem1, b0 + 1)
        return carry

    lax.fori_loop(1, NBLK // 2, body, 0, unroll=False)
    wait_block(buf0, sem0)
    wait_block(buf1, sem1)


@functools.partial(
    pl.kernel,
    out_type=jax.ShapeDtypeStruct((NUM_HEADS * SEQ * SEQ,), jnp.float32),
    mesh=plsc.VectorSubcoreMesh(core_axis_name="c", subcore_axis_name="s"),
    scratch_types=[
        pltpu.VMEM((WPAD,), jnp.float32),
        pltpu.VMEM((RBLK * SEQ,), jnp.float32),
        pltpu.VMEM((RBLK * SEQ,), jnp.float32),
        pltpu.SemaphoreType.DMA,
        pltpu.SemaphoreType.DMA,
    ],
)
def _sc_bias(revs_hbm, out_hbm, rev_v, buf0, buf1, sem0, sem1):
    _sc_body(revs_hbm, out_hbm, rev_v, buf0, buf1, sem0, sem1)


def kernel(relative_position_bias_table, relative_position_index, seq_len):
    table = relative_position_bias_table
    off = jnp.asarray(seq_len, jnp.int32) - jnp.int32(SEQ)
    m = jnp.arange(WPAD, dtype=jnp.int32)
    rows = jnp.clip((TBL - 1) - m + off, 0, TBL - 1)
    revs = jnp.transpose(jnp.take(table, rows, axis=0), (1, 0))
    revs = revs.reshape(NUM_HEADS * WPAD)
    out = _sc_bias(revs)
    return out.reshape(1, NUM_HEADS, SEQ, SEQ)

# --- scband reference (transcript-rebuilt; emitter-appended) ---
"""Pipeline reference for scband-relative-position-bias-3599182594646 (READ-ONLY COPY).

The authoritative reference and input builder live on the scoring server;
editing this copy changes nothing except your own understanding.
"""

import jax, jax.numpy as jnp
import numpy as np

MAX_SEQ_LEN = 2048
NUM_HEADS = 16


def setup_inputs(seed: int = 0) -> dict:
    key = jax.random.key(seed)
    # learned parameter: relative position bias table [2*max_seq_len-1, num_heads]
    table = jax.random.normal(key, (2 * MAX_SEQ_LEN - 1, NUM_HEADS), dtype=jnp.float32) * 0.02
    # buffer: relative position index [max_seq_len, max_seq_len]
    coords = jnp.arange(MAX_SEQ_LEN, dtype=jnp.int32)
    relative_coords = coords[:, None] - coords[None, :]
    relative_coords = relative_coords + (MAX_SEQ_LEN - 1)
    return {
        "relative_position_bias_table": table,
        "relative_position_index": relative_coords.astype(jnp.int32),
        "seq_len": 2048,
    }


def reference(relative_position_bias_table, relative_position_index, seq_len):
    static_len = relative_position_index.shape[0]
    seq_len_offset = jnp.asarray(seq_len, dtype=jnp.int32) - jnp.int32(static_len)
    idx = relative_position_index[:static_len, :static_len].reshape(-1) + seq_len_offset
    bias = jnp.take(relative_position_bias_table, idx, axis=0)
    bias = bias.reshape(static_len, static_len, -1)
    bias = jnp.transpose(bias, (2, 0, 1))
    return bias[None]

if __name__ == "__main__":
    import jax
    _d = setup_inputs()
    print(jax.jit(kernel)(*tuple(_d.values())))

</pallas_src>

<mosaic_0001>
#map = affine_map<(d0, d1) -> (0)>
module attributes {stable_mosaic.version = 14 : i64} {
  func.func @_sc_bias(%arg0: i32, %arg1: i32, %arg2: memref<65792xf32, #tpu.memory_space<hbm>>, %arg3: memref<67108864xf32, #tpu.memory_space<hbm>>, %arg4: memref<4112xf32, #tpu.memory_space<vmem>>, %arg5: memref<32768xf32, #tpu.memory_space<vmem>>, %arg6: memref<32768xf32, #tpu.memory_space<vmem>>, %arg7: memref<!tpu.dma_semaphore, #tpu.memory_space<semaphore_mem>>, %arg8: memref<!tpu.dma_semaphore, #tpu.memory_space<semaphore_mem>>) attributes {dimension_semantics = [#tpu.dimension_semantics<core_parallel>, #tpu.dimension_semantics<subcore_parallel>], iteration_bounds = array<i64: 2, 16>, scalar_prefetch = 0 : i64, scratch_operands = 5 : i64, tpu.core_type = #tpu.core_type<sc_vector_subcore>, window_params = [{transform_indices = #map}, {transform_indices = #map}]} {
    %mul3A = arith.constant 4112 : i32
    %mul3A_0 = arith.muli %arg1, %mul3A : i32
    "tpu.region"() ({
      %run_scoped3A = tpu.sem_alloc : memref<!tpu.dma_semaphore, #tpu.memory_space<semaphore_mem>>
      %dma_start3A_40 = tpu.memref_slice %arg2[%mul3A_0] : memref<65792xf32, #tpu.memory_space<hbm>> -> memref<4112xf32, #tpu.memory_space<hbm>>
      %dma_start3A_41 = tpu.memref_slice %arg2[%mul3A_0] : memref<65792xf32, #tpu.memory_space<hbm>> -> memref<4112xf32, #tpu.memory_space<hbm>>
      tpu.enqueue_dma source(%dma_start3A_41 : memref<4112xf32, #tpu.memory_space<hbm>>) target(%arg4 : memref<4112xf32, #tpu.memory_space<vmem>>) target_semaphore(%run_scoped3A : memref<!tpu.dma_semaphore, #tpu.memory_space<semaphore_mem>>)
      %dma_wait3A_42 = tpu.memref_slice %arg2[%mul3A_0] : memref<65792xf32, #tpu.memory_space<hbm>> -> memref<4112xf32, #tpu.memory_space<hbm>>
      %dma_wait3A_43 = tpu.memref_slice %arg2[%mul3A_0] : memref<65792xf32, #tpu.memory_space<hbm>> -> memref<4112xf32, #tpu.memory_space<hbm>>
      tpu.wait_dma2 semaphore(%run_scoped3A : memref<!tpu.dma_semaphore, #tpu.memory_space<semaphore_mem>>) src(%dma_wait3A_43 : memref<4112xf32, #tpu.memory_space<hbm>>) dst(%arg4 : memref<4112xf32, #tpu.memory_space<vmem>>)
      tpu.yield
    }) : () -> ()
    %mul3A_1 = arith.constant 1024 : i32
    %mul3A_2 = arith.muli %arg0, %mul3A_1 : i32
    %mul3A_3 = arith.constant 4194304 : i32
    %mul3A_4 = arith.muli %arg1, %mul3A_3 : i32
    %sub3A = arith.constant 2047 : i32
    %sub3A_5 = arith.subi %sub3A, %mul3A_2 : i32
    %scan3A = arith.constant 0 : i32
    %scan3A_6 = arith.constant 0 : i32
    %scan3A_7 = arith.constant 16 : i32
    %scan3A_8 = arith.addi %scan3A_6, %scan3A_7 : i32
    %scan3A_9 = arith.constant 1 : i32
    scf.for %scan3A_40 = %scan3A_6 to %scan3A_8 step %scan3A_9  : i32 {
      %sub3A_41 = arith.subi %sub3A_5, %scan3A_40 : i32
      %mul3A_42 = arith.constant 2048 : i32
      %mul3A_43 = arith.muli %scan3A_40, %mul3A_42 : i32
      %parallel_loop3A = arith.constant 0 : i32
      %parallel_loop3A_44 = arith.constant 128 : i32
      %parallel_loop3A_45 = arith.constant 1 : i32
      scf.for %parallel_loop3A_46 = %parallel_loop3A to %parallel_loop3A_44 step %parallel_loop3A_45  : i32 {
        %parallel_loop3A_47 = arith.constant 16 : i32
        %parallel_loop3A_48 = arith.muli %parallel_loop3A_46, %parallel_loop3A_47 : i32
        %parallel_loop3A_49 = arith.addi %sub3A_41, %parallel_loop3A_48 : i32
        %parallel_loop3A_50 = arith.index_cast %parallel_loop3A_49 : i32 to index
        %parallel_loop3A_51 = tpu.vector_load %arg4[%parallel_loop3A_50] {strides = array<i32>} : memref<4112xf32, #tpu.memory_space<vmem>>, vector<16xf32>,
        %parallel_loop3A_52 = vector.shape_cast %parallel_loop3A_51 : vector<16xf32> to vector<16xf32>
        %parallel_loop3A_53 = arith.addi %mul3A_43, %parallel_loop3A_48 : i32
        %parallel_loop3A_54 = arith.index_cast %parallel_loop3A_53 : i32 to index
        %parallel_loop3A_55 = tpu.vector_load %arg5[%parallel_loop3A_54] {strides = array<i32>} : memref<32768xf32, #tpu.memory_space<vmem>>, vector<16xf32>,
        %parallel_loop3A_56 = vector.shape_cast %parallel_loop3A_55 : vector<16xf32> to vector<16xf32>
        %parallel_loop3A_57 = vector.shape_cast %parallel_loop3A_52 : vector<16xf32> to vector<16xf32>
        tpu.vector_store %arg5[%parallel_loop3A_54], %parallel_loop3A_57 {strides = array<i32>} : memref<32768xf32, #tpu.memory_space<vmem>>, vector<16xf32>,
      } {sc.loop_unroll_factor = 8 : i64, sc.parallel_access}
    }
    %scan3A_10 = arith.constant 16 : i32
    %add3A = arith.constant 0 : i32
    %add3A_11 = arith.addi %mul3A_2, %add3A : i32
    %mul3A_12 = arith.constant 2048 : i32
    %mul3A_13 = arith.muli %add3A_11, %mul3A_12 : i32
    %add3A_14 = arith.addi %mul3A_4, %mul3A_13 : i32
    %dma_start3A = tpu.memref_slice %arg3[%add3A_14] : memref<67108864xf32, #tpu.memory_space<hbm>> -> memref<32768xf32, #tpu.memory_space<hbm>>
    %dma_start3A_15 = tpu.memref_slice %arg3[%add3A_14] : memref<67108864xf32, #tpu.memory_space<hbm>> -> memref<32768xf32, #tpu.memory_space<hbm>>
    tpu.enqueue_dma source(%arg5 : memref<32768xf32, #tpu.memory_space<vmem>>) target(%dma_start3A_15 : memref<32768xf32, #tpu.memory_space<hbm>>) target_semaphore(%arg7 : memref<!tpu.dma_semaphore, #tpu.memory_space<semaphore_mem>>)
    %sub3A_16 = arith.constant 16 : i32
    %sub3A_17 = arith.subi %sub3A_5, %sub3A_16 : i32
    %scan3A_18 = arith.constant 0 : i32
    %scan3A_19 = arith.constant 0 : i32
    %scan3A_20 = arith.constant 16 : i32
    %scan3A_21 = arith.addi %scan3A_19, %scan3A_20 : i32
    %scan3A_22 = arith.constant 1 : i32
    scf.for %scan3A_40 = %scan3A_19 to %scan3A_21 step %scan3A_22  : i32 {
      %sub3A_41 = arith.subi %sub3A_17, %scan3A_40 : i32
      %mul3A_42 = arith.constant 2048 : i32
      %mul3A_43 = arith.muli %scan3A_40, %mul3A_42 : i32
      %parallel_loop3A = arith.constant 0 : i32
      %parallel_loop3A_44 = arith.constant 128 : i32
      %parallel_loop3A_45 = arith.constant 1 : i32
      scf.for %parallel_loop3A_46 = %parallel_loop3A to %parallel_loop3A_44 step %parallel_loop3A_45  : i32 {
        %parallel_loop3A_47 = arith.constant 16 : i32
        %parallel_loop3A_48 = arith.muli %parallel_loop3A_46, %parallel_loop3A_47 : i32
        %parallel_loop3A_49 = arith.addi %sub3A_41, %parallel_loop3A_48 : i32
        %parallel_loop3A_50 = arith.index_cast %parallel_loop3A_49 : i32 to index
        %parallel_loop3A_51 = tpu.vector_load %arg4[%parallel_loop3A_50] {strides = array<i32>} : memref<4112xf32, #tpu.memory_space<vmem>>, vector<16xf32>,
        %parallel_loop3A_52 = vector.shape_cast %parallel_loop3A_51 : vector<16xf32> to vector<16xf32>
        %parallel_loop3A_53 = arith.addi %mul3A_43, %parallel_loop3A_48 : i32
        %parallel_loop3A_54 = arith.index_cast %parallel_loop3A_53 : i32 to index
        %parallel_loop3A_55 = tpu.vector_load %arg6[%parallel_loop3A_54] {strides = array<i32>} : memref<32768xf32, #tpu.memory_space<vmem>>, vector<16xf32>,
        %parallel_loop3A_56 = vector.shape_cast %parallel_loop3A_55 : vector<16xf32> to vector<16xf32>
        %parallel_loop3A_57 = vector.shape_cast %parallel_loop3A_52 : vector<16xf32> to vector<16xf32>
        tpu.vector_store %arg6[%parallel_loop3A_54], %parallel_loop3A_57 {strides = array<i32>} : memref<32768xf32, #tpu.memory_space<vmem>>, vector<16xf32>,
      } {sc.loop_unroll_factor = 8 : i64, sc.parallel_access}
    }
    %scan3A_23 = arith.constant 16 : i32
    %add3A_24 = arith.constant 16 : i32
    %add3A_25 = arith.addi %mul3A_2, %add3A_24 : i32
    %mul3A_26 = arith.constant 2048 : i32
    %mul3A_27 = arith.muli %add3A_25, %mul3A_26 : i32
    %add3A_28 = arith.addi %mul3A_4, %mul3A_27 : i32
    %dma_start3A_29 = tpu.memref_slice %arg3[%add3A_28] : memref<67108864xf32, #tpu.memory_space<hbm>> -> memref<32768xf32, #tpu.memory_space<hbm>>
    %dma_start3A_30 = tpu.memref_slice %arg3[%add3A_28] : memref<67108864xf32, #tpu.memory_space<hbm>> -> memref<32768xf32, #tpu.memory_space<hbm>>
    tpu.enqueue_dma source(%arg6 : memref<32768xf32, #tpu.memory_space<vmem>>) target(%dma_start3A_30 : memref<32768xf32, #tpu.memory_space<hbm>>) target_semaphore(%arg8 : memref<!tpu.dma_semaphore, #tpu.memory_space<semaphore_mem>>)
    %scan3A_31 = arith.constant 0 : i32
    %scan3A_32 = arith.constant 1 : i32
    %scan3A_33 = arith.constant 31 : i32
    %scan3A_34 = arith.addi %scan3A_32, %scan3A_33 : i32
    %scan3A_35 = arith.constant 1 : i32
    scf.for %scan3A_40 = %scan3A_32 to %scan3A_34 step %scan3A_35  : i32 {
      %mul3A_41 = arith.constant 2 : i32
      %mul3A_42 = arith.muli %mul3A_41, %scan3A_40 : i32
      %dma_wait3A_43 = tpu.memref_slice %arg3[%mul3A_4] : memref<67108864xf32, #tpu.memory_space<hbm>> -> memref<32768xf32, #tpu.memory_space<hbm>>
      %dma_wait3A_44 = tpu.memref_slice %arg3[%mul3A_4] : memref<67108864xf32, #tpu.memory_space<hbm>> -> memref<32768xf32, #tpu.memory_space<hbm>>
      tpu.wait_dma2 semaphore(%arg7 : memref<!tpu.dma_semaphore, #tpu.memory_space<semaphore_mem>>) src(%arg5 : memref<32768xf32, #tpu.memory_space<vmem>>) dst(%dma_wait3A_44 : memref<32768xf32, #tpu.memory_space<hbm>>)
      %mul3A_45 = arith.constant 16 : i32
      %mul3A_46 = arith.muli %mul3A_42, %mul3A_45 : i32
      %sub3A_47 = arith.subi %sub3A_5, %mul3A_46 : i32
      %scan3A_48 = arith.constant 0 : i32
      %scan3A_49 = arith.constant 0 : i32
      %scan3A_50 = arith.constant 16 : i32
      %scan3A_51 = arith.addi %scan3A_49, %scan3A_50 : i32
      %scan3A_52 = arith.constant 1 : i32
      scf.for %scan3A_85 = %scan3A_49 to %scan3A_51 step %scan3A_52  : i32 {
        %sub3A_86 = arith.subi %sub3A_47, %scan3A_85 : i32
        %mul3A_87 = arith.constant 2048 : i32
        %mul3A_88 = arith.muli %scan3A_85, %mul3A_87 : i32
        %parallel_loop3A = arith.constant 0 : i32
        %parallel_loop3A_89 = arith.constant 128 : i32
        %parallel_loop3A_90 = arith.constant 1 : i32
        scf.for %parallel_loop3A_91 = %parallel_loop3A to %parallel_loop3A_89 step %parallel_loop3A_90  : i32 {
          %parallel_loop3A_92 = arith.constant 16 : i32
          %parallel_loop3A_93 = arith.muli %parallel_loop3A_91, %parallel_loop3A_92 : i32
          %parallel_loop3A_94 = arith.addi %sub3A_86, %parallel_loop3A_93 : i32
          %parallel_loop3A_95 = arith.index_cast %parallel_loop3A_94 : i32 to index
          %parallel_loop3A_96 = tpu.vector_load %arg4[%parallel_loop3A_95] {strides = array<i32>} : memref<4112xf32, #tpu.memory_space<vmem>>, vector<16xf32>,
          %parallel_loop3A_97 = vector.shape_cast %parallel_loop3A_96 : vector<16xf32> to vector<16xf32>
          %parallel_loop3A_98 = arith.addi %mul3A_88, %parallel_loop3A_93 : i32
          %parallel_loop3A_99 = arith.index_cast %parallel_loop3A_98 : i32 to index
          %parallel_loop3A_100 = tpu.vector_load %arg5[%parallel_loop3A_99] {strides = array<i32>} : memref<32768xf32, #tpu.memory_space<vmem>>, vector<16xf32>,
          %parallel_loop3A_101 = vector.shape_cast %parallel_loop3A_100 : vector<16xf32> to vector<16xf32>
          %parallel_loop3A_102 = vector.shape_cast %parallel_loop3A_97 : vector<16xf32> to vector<16xf32>
          tpu.vector_store %arg5[%parallel_loop3A_99], %parallel_loop3A_102 {strides = array<i32>} : memref<32768xf32, #tpu.memory_space<vmem>>, vector<16xf32>,
        } {sc.loop_unroll_factor = 8 : i64, sc.parallel_access}
      }
      %scan3A_53 = arith.constant 16 : i32
      %mul3A_54 = arith.constant 16 : i32
      %mul3A_55 = arith.muli %mul3A_42, %mul3A_54 : i32
      %add3A_56 = arith.addi %mul3A_2, %mul3A_55 : i32
      %mul3A_57 = arith.constant 2048 : i32
      %mul3A_58 = arith.muli %add3A_56, %mul3A_57 : i32
      %add3A_59 = arith.addi %mul3A_4, %mul3A_58 : i32
      %dma_start3A_60 = tpu.memref_slice %arg3[%add3A_59] : memref<67108864xf32, #tpu.memory_space<hbm>> -> memref<32768xf32, #tpu.memory_space<hbm>>
      %dma_start3A_61 = tpu.memref_slice %arg3[%add3A_59] : memref<67108864xf32, #tpu.memory_space<hbm>> -> memref<32768xf32, #tpu.memory_space<hbm>>
      tpu.enqueue_dma source(%arg5 : memref<32768xf32, #tpu.memory_space<vmem>>) target(%dma_start3A_61 : memref<32768xf32, #tpu.memory_space<hbm>>) target_semaphore(%arg7 : memref<!tpu.dma_semaphore, #tpu.memory_space<semaphore_mem>>)
      %dma_wait3A_62 = tpu.memref_slice %arg3[%mul3A_4] : memref<67108864xf32, #tpu.memory_space<hbm>> -> memref<32768xf32, #tpu.memory_space<hbm>>
      %dma_wait3A_63 = tpu.memref_slice %arg3[%mul3A_4] : memref<67108864xf32, #tpu.memory_space<hbm>> -> memref<32768xf32, #tpu.memory_space<hbm>>
      tpu.wait_dma2 semaphore(%arg8 : memref<!tpu.dma_semaphore, #tpu.memory_space<semaphore_mem>>) src(%arg6 : memref<32768xf32, #tpu.memory_space<vmem>>) dst(%dma_wait3A_63 : memref<32768xf32, #tpu.memory_space<hbm>>)
      %add3A_64 = arith.constant 1 : i32
      %add3A_65 = arith.addi %mul3A_42, %add3A_64 : i32
      %mul3A_66 = arith.constant 16 : i32
      %mul3A_67 = arith.muli %add3A_65, %mul3A_66 : i32
      %sub3A_68 = arith.subi %sub3A_5, %mul3A_67 : i32
      %scan3A_69 = arith.constant 0 : i32
      %scan3A_70 = arith.constant 0 : i32
      %scan3A_71 = arith.constant 16 : i32
      %scan3A_72 = arith.addi %scan3A_70, %scan3A_71 : i32
      %scan3A_73 = arith.constant 1 : i32
      scf.for %scan3A_85 = %scan3A_70 to %scan3A_72 step %scan3A_73  : i32 {
        %sub3A_86 = arith.subi %sub3A_68, %scan3A_85 : i32
        %mul3A_87 = arith.constant 2048 : i32
        %mul3A_88 = arith.muli %scan3A_85, %mul3A_87 : i32
        %parallel_loop3A = arith.constant 0 : i32
        %parallel_loop3A_89 = arith.constant 128 : i32
        %parallel_loop3A_90 = arith.constant 1 : i32
        scf.for %parallel_loop3A_91 = %parallel_loop3A to %parallel_loop3A_89 step %parallel_loop3A_90  : i32 {
          %parallel_loop3A_92 = arith.constant 16 : i32
          %parallel_loop3A_93 = arith.muli %parallel_loop3A_91, %parallel_loop3A_92 : i32
          %parallel_loop3A_94 = arith.addi %sub3A_86, %parallel_loop3A_93 : i32
          %parallel_loop3A_95 = arith.index_cast %parallel_loop3A_94 : i32 to index
          %parallel_loop3A_96 = tpu.vector_load %arg4[%parallel_loop3A_95] {strides = array<i32>} : memref<4112xf32, #tpu.memory_space<vmem>>, vector<16xf32>,
          %parallel_loop3A_97 = vector.shape_cast %parallel_loop3A_96 : vector<16xf32> to vector<16xf32>
          %parallel_loop3A_98 = arith.addi %mul3A_88, %parallel_loop3A_93 : i32
          %parallel_loop3A_99 = arith.index_cast %parallel_loop3A_98 : i32 to index
          %parallel_loop3A_100 = tpu.vector_load %arg6[%parallel_loop3A_99] {strides = array<i32>} : memref<32768xf32, #tpu.memory_space<vmem>>, vector<16xf32>,
          %parallel_loop3A_101 = vector.shape_cast %parallel_loop3A_100 : vector<16xf32> to vector<16xf32>
          %parallel_loop3A_102 = vector.shape_cast %parallel_loop3A_97 : vector<16xf32> to vector<16xf32>
          tpu.vector_store %arg6[%parallel_loop3A_99], %parallel_loop3A_102 {strides = array<i32>} : memref<32768xf32, #tpu.memory_space<vmem>>, vector<16xf32>,
        } {sc.loop_unroll_factor = 8 : i64, sc.parallel_access}
      }
      %scan3A_74 = arith.constant 16 : i32
      %add3A_75 = arith.constant 1 : i32
      %add3A_76 = arith.addi %mul3A_42, %add3A_75 : i32
      %mul3A_77 = arith.constant 16 : i32
      %mul3A_78 = arith.muli %add3A_76, %mul3A_77 : i32
      %add3A_79 = arith.addi %mul3A_2, %mul3A_78 : i32
      %mul3A_80 = arith.constant 2048 : i32
      %mul3A_81 = arith.muli %add3A_79, %mul3A_80 : i32
      %add3A_82 = arith.addi %mul3A_4, %mul3A_81 : i32
      %dma_start3A_83 = tpu.memref_slice %arg3[%add3A_82] : memref<67108864xf32, #tpu.memory_space<hbm>> -> memref<32768xf32, #tpu.memory_space<hbm>>
      %dma_start3A_84 = tpu.memref_slice %arg3[%add3A_82] : memref<67108864xf32, #tpu.memory_space<hbm>> -> memref<32768xf32, #tpu.memory_space<hbm>>
      tpu.enqueue_dma source(%arg6 : memref<32768xf32, #tpu.memory_space<vmem>>) target(%dma_start3A_84 : memref<32768xf32, #tpu.memory_space<hbm>>) target_semaphore(%arg8 : memref<!tpu.dma_semaphore, #tpu.memory_space<semaphore_mem>>)
    }
    %scan3A_36 = arith.constant 31 : i32
    %dma_wait3A = tpu.memref_slice %arg3[%mul3A_4] : memref<67108864xf32, #tpu.memory_space<hbm>> -> memref<32768xf32, #tpu.memory_space<hbm>>
    %dma_wait3A_37 = tpu.memref_slice %arg3[%mul3A_4] : memref<67108864xf32, #tpu.memory_space<hbm>> -> memref<32768xf32, #tpu.memory_space<hbm>>
    tpu.wait_dma2 semaphore(%arg7 : memref<!tpu.dma_semaphore, #tpu.memory_space<semaphore_mem>>) src(%arg5 : memref<32768xf32, #tpu.memory_space<vmem>>) dst(%dma_wait3A_37 : memref<32768xf32, #tpu.memory_space<hbm>>)
    %dma_wait3A_38 = tpu.memref_slice %arg3[%mul3A_4] : memref<67108864xf32, #tpu.memory_space<hbm>> -> memref<32768xf32, #tpu.memory_space<hbm>>
    %dma_wait3A_39 = tpu.memref_slice %arg3[%mul3A_4] : memref<67108864xf32, #tpu.memory_space<hbm>> -> memref<32768xf32, #tpu.memory_space<hbm>>
    tpu.wait_dma2 semaphore(%arg8 : memref<!tpu.dma_semaphore, #tpu.memory_space<semaphore_mem>>) src(%arg6 : memref<32768xf32, #tpu.memory_space<vmem>>) dst(%dma_wait3A_39 : memref<32768xf32, #tpu.memory_space<hbm>>)
    return
  }
}

</mosaic_0001>

<sc_bundles>
// kernel: gather_offload_async_start
scs
__scs_entry_jumppad:
0x0: {  	(pc) =	sbr.rel $0x88, $3  }
0x1: {  	(tag) =	ssettag $0x0;
	lr =	simm.s32 $0x1  }
0x2: {  	[smem:$0x3F9F] =	sst lr;
	_ =	strace $0xD0000000  }
0x3: {  	_ = 	snop  }
0x4: {  	_ = 	snop  }
0x5: {  	_ = 	snop  }
0x6: {  	_ = 	snop  }
0x7: {  	_ = 	snop  }
__scs_overlays_trampoline_lowered:
0x8: {  	[smem:$0x3FAE] =	sst s0  }
0x9: {  	[smem:$0x3FAF] =	sst s1  }
0xa: {  	[smem:$0x3FB0] =	sst s2  }
0xb: {  	[smem:$0x3FB1] =	sst s3  }
0xc: {  	[smem:$0x3FB2] =	sst s4  }
0xd: {  	[smem:$0x3FB3] =	sst s5  }
0xe: {  	[smem:$0x3FB4] =	sst s6  }
0xf: {  	[smem:$0x3FB5] =	sst s7  }
0x10: {  	[smem:$0x3FB6] =	sst s8  }
0x11: {  	[smem:$0x3FB7] =	sst s9;
	s0 =	simm.s32 @!p0 $0x0  }
0x12: {  	s1 =	sld [smem:$0x3F9D];
	s0 =	simm.s32 @p0 $0x1  }
0x13: {  	[smem:$0x3FB8] =	sst s0;
	s0 =	simm.s32 @!p1 $0x0  }
0x14: {  	s2 =	sld [smem:$0x3F9C];
	s0 =	simm.s32 @p1 $0x1  }
0x15: {  	[smem:$0x3FB9] =	sst s0;
	s0 =	simm.s32 @!p2 $0x0  }
0x16: {  	s3 =	sld [smem:$0x3FDB];
	s0 =	simm.s32 @p2 $0x1  }
0x17: {  	s4 =	simm.s32 $0x1BF5;
	[smem:$0x3FBB] =	sst s0  }
0x18: {  	s0 =	sld [smem:$0x3F9E];
	_ =	swait.ge [sflag:s4], $0x0  }
0x19: {  	s7 =	sld [smem:$0x3F9F]  }
0x1a: {  	s8 =	sadd.s32 $0xFFFFE003, lr  }
0x1b: {  	s9 =	sadd.s32 $0xFFFFFEF7, lr;
	s5 =	simm.s32 $0xFFFFFFFF;
	p2 =	slt.u32 s8, $0xFFFFF086  }
0x1c: {  	p1 =	slt.u32 s9, $0xF7A;
	s5 =	simm.s32 @!p2 $0x0  }
0x1d: {  	s5 =	simm.s32 @p1 $0x1;
	p0 =	seq.s32 s7, s2  }
0x1e: {  	s7 =	smul.u32 @!p0 $0xF7A, s2;
	p2 =	seq.s32 @!p0 s5, $0x0  }
0x1f: {  	s9 =	smul.u32 $0xF7A, s1;
	s8 =	simm.s32 @!p0 $0x1BF5;
	p2 =	por !p2, p0  }
0x20: {  	[sflag:s8] =	ssyncset.s32 @!p0 $0xFFFFF086;
	s6 =	sadd.s32 @!p0 s3, s7;
	s7 =	simm.s32 @!p0 $0x108  }
0x21: {  	s3 =	sadd.s32 s3, s9;
	s6 =	sadd.s32 @!p0 $0x88, s6;
	s7 =	simm.s32 @p2 $0x1082  }
0x22: {  	[simem:s7], [sflag:s8] =	dma.local @!p0 [hbm:s6], $0xF7A  }
0x23: {  	s9 =	sor.u32 $0xD0000000, s2;
	s6 =	simm.s32 $0x108;
	_ =	swait.ge @!p0 [sflag:s8], $0x0  }
0x24: {  	s3 =	sadd.s32 $0x88, s3;
	s6 =	simm.s32 @!p1 $0x1082;
	[sflag:s4] =	ssyncset.s32 $0xFFFFF086  }
0x25: {  	[simem:s6], [sflag:s4] =	dma.local [hbm:s3], $0xF7A  }
0x26: {  	[smem:$0x3F9F] =	sst s1;
	(tag) =	ssettag s2;
	_ =	strace s9  }
0x27: {  	s1 =	sld [smem:$0x3FAF]  }
0x28: {  	s2 =	sld [smem:$0x3FB0]  }
0x29: {  	s4 =	sld [smem:$0x3FB2]  }
0x2a: {  	p0 =	seq.s32 s5, $0x0;
	s5 =	sld [smem:$0x3FB3]  }
0x2b: {  	s6 =	sld [smem:$0x3FB4]  }
0x2c: {  	s7 =	sld [smem:$0x3FB5]  }
0x2d: {  	s3 =	simm.s32 $0x108;
	s8 =	sld [smem:$0x3FB6]  }
0x2e: {  	s3 =	simm.s32 @!p0 $0x1082;
	s9 =	sld [smem:$0x3FB7]  }
0x2f: {  	lr =	sadd.s32 s0, s3;
	s0 =	sld [smem:$0x3FAE]  }
0x30: {  	s3 =	sld [smem:$0x3FB1]  }
0x31: {  	[smem:$0x3FBA] =	sst s10  }
0x32: {  	s10 =	sld [smem:$0x3FB8];
	_ =	sdelay $0x3  }
0x33: {  	p0 =	seq.s32 s10, $0x1;
	s10 =	sld [smem:$0x3FBA];
	_ =	sdelay $0x3  }
0x34: {  	[smem:$0x3FBA] =	sst s10  }
0x35: {  	s10 =	sld [smem:$0x3FB9];
	_ =	sdelay $0x3  }
0x36: {  	p1 =	seq.s32 s10, $0x1;
	s10 =	sld [smem:$0x3FBA];
	_ =	sdelay $0x3  }
0x37: {  	[smem:$0x3FBA] =	sst s10  }
0x38: {  	s10 =	sld [smem:$0x3FBB]  }
0x39: {  	_ = 	snop;
	(pc) =	sbr.ind lr, $3  }
0x3a: {  	_ = 	snop  }
0x3b: {  	_ = 	snop  }
0x3c: {  	p2 =	seq.s32 s10, $0x1;
	s10 =	sld [smem:$0x3FBA]  }
0x3d: {  	_ =	shalt  }
0x3e: {  	_ =	shalt  }
0x3f: {  	_ =	shalt  }
0x40: {  	_ =	shalt  }
0x41: {  	_ =	shalt  }
0x42: {  	_ =	shalt  }
0x43: {  	_ =	shalt  }
0x44: {  	_ =	shalt  }
0x45: {  	_ =	shalt  }
0x46: {  	_ =	shalt  }
0x47: {  	_ =	shalt  }
0x48: {  	_ =	shalt  }
0x49: {  	_ =	shalt  }
0x4a: {  	_ =	shalt  }
0x4b: {  	_ =	shalt  }
0x4c: {  	_ =	shalt  }
0x4d: {  	_ =	shalt  }
0x4e: {  	_ =	shalt  }
0x4f: {  	_ =	shalt  }
0x50: {  	_ =	shalt  }
0x51: {  	_ =	shalt  }
0x52: {  	_ =	shalt  }
0x53: {  	_ =	shalt  }
0x54: {  	_ =	shalt  }
0x55: {  	_ =	shalt  }
0x56: {  	_ =	shalt  }
0x57: {  	_ =	shalt  }
0x58: {  	_ =	shalt  }
0x59: {  	_ =	shalt  }
0x5a: {  	_ =	shalt  }
0x5b: {  	_ =	shalt  }
0x5c: {  	_ =	shalt  }
0x5d: {  	_ =	shalt  }
0x5e: {  	_ =	shalt  }
0x5f: {  	_ =	shalt  }
0x60: {  	_ =	shalt  }
0x61: {  	_ =	shalt  }
0x62: {  	_ =	shalt  }
0x63: {  	_ =	shalt  }
0x64: {  	_ =	shalt  }
0x65: {  	_ =	shalt  }
0x66: {  	_ =	shalt  }
0x67: {  	_ =	shalt  }
0x68: {  	_ =	shalt  }
0x69: {  	_ =	shalt  }
0x6a: {  	_ =	shalt  }
0x6b: {  	_ =	shalt  }
0x6c: {  	_ =	shalt  }
0x6d: {  	_ =	shalt  }
0x6e: {  	_ =	shalt  }
0x6f: {  	_ =	shalt  }
0x70: {  	_ =	shalt  }
0x71: {  	_ =	shalt  }
0x72: {  	_ =	shalt  }
0x73: {  	_ =	shalt  }
0x74: {  	_ =	shalt  }
0x75: {  	_ =	shalt  }
0x76: {  	_ =	shalt  }
0x77: {  	_ =	shalt  }
0x78: {  	_ =	shalt  }
0x79: {  	_ =	shalt  }
0x7a: {  	_ =	shalt  }
0x7b: {  	_ =	shalt  }
0x7c: {  	_ =	shalt  }
0x7d: {  	_ =	shalt  }
0x7e: {  	_ =	shalt  }
0x7f: {  	_ =	shalt  }
0x80: {  	_ =	shalt  }
0x81: {  	_ =	shalt  }
0x82: {  	_ =	shalt  }
0x83: {  	_ =	shalt  }
0x84: {  	_ =	shalt  }
0x85: {  	_ =	shalt  }
0x86: {  	_ =	shalt  }
0x87: {  	_ =	shalt  }
.Lfunc_end0:
.L_simem_size_0:
called_computation_lowered:
.L_overlay_start_0:
0x88: {  	s0 =	sld [smem:$0x3FD9]  }
0x89: {  	s1 =	sld [smem:$0x3FFE];
	_ =	sdelay $0x3  }
0x8a: {  	s0 =	sadd.s32 s1, s0  }
0x8b: {  	[smem:$0x3FC6] =	sst s0  }
0x8c: {  	_ = 	snop  }
0x8d: {  	s0 =	sld [smem:$0x3FD0];
	(tm) =	ssettm $0x1  }
0x8e: {  	s16 =	sld [smem:$0x3FFB];
	_ =	sdelay $0x3  }
0x8f: {  	_ =	strace s16  }
0x90: {  	s1 =	sld [smem:$0x3FFC];
	_ =	sdelay $0x3  }
0x91: {  	_ =	strace s1  }
0x92: {  	s1 =	sld [smem:$0x3FFD];
	_ =	sdelay $0x3  }
0x93: {  	_ =	strace s1  }
0x94: {  	_ =	strace $0x8FFFFFFF  }
0x95: {  	s17 =	sld [smem:$0x3FDB];
	_ =	sdelay $0x1  }
0x96: {  	s2 =	simm.s32 $_scs_section_size  }
0x97: {  	s3 =	simm.s32 $_size__tile_overlayer_lowered;
	s4 =	simm.s32 $_tile_overlayer_lowered  }
0x98: {  	s20 =	simm.s32 $0x1BFF;
	s19 =	sshll.u32 s4, $0x1;
	s1 =	sadd.s32 s2, s17  }
0x99: {  	s5 =	simm.s32 $0x0;
	s18 =	sshll.u32 s3, $0x1;
	s3 =	sadd.s32 s19, s1  }
0x9a: {  	[timem:s5], [sflag:s20] =	dma.local [hbm:s3], s18  }
0x9b: {  	_ =	swait.ge [sflag:s20], s18  }
0x9c: {  	s2 =	ssub.s32 $0x0, s18;
	[sflag:s20] =	ssyncset.done $0x0  }
0x9d: {  	[sflag:s20] =	ssyncadd.s32 s2;
	_ =	sdelay $0x1  }
0x9e: {  	s21 =	simm.s32 $0x1B8B  }
0x9f: {  	_ =	swait.ge [sflag:s21], $0x1  }
0xa0: {  	[sflag:s21] =	ssyncset.done $0x0  }
0xa1: {  	s23 =	simm.s32 $0x1B8E;
	s22 =	sld [smem:$0x3FFE];
	[sflag:s21] =	ssyncadd.s32 $0xFFFFFFFF  }
0xa2: {  	s24 =	simm.s32 $execute0_lowered;
	[smem:$0x3FD2] =	sst s23  }
0xa3: {  	s3 =	sshll.u32 s24, $0x1;
	_ =	strace $0x80000046;
	[dreg:$0x1] =	wrdreg $0xFFFFFFFF  }
0xa4: {  	s25 =	simm.s32 $_size_execute0_lowered;
	s1 =	sadd.s32 s1, s3;
	[dreg:$0x0] =	wrdreg $0x0  }
0xa5: {  	s3 =	sshll.u32 s25, $0x1;
	[dreg:$0x2] =	wrdreg s1  }
0xa6: {  	[dreg:$0x3] =	wrdreg s3  }
0xa7: {  	[dreg:$0x4] =	wrdreg $0xC0  }
0xa8: {  	_ =	task [dreg:s5], $0x5FFFF  }
0xa9: {  	[dreg:$0x1] =	wrdreg $0xFFFFFFFF  }
0xaa: {  	[dreg:$0x0] =	wrdreg $0x60  }
0xab: {  	[dreg:$0x2] =	wrdreg s22  }
0xac: {  	[dreg:$0x3] =	wrdreg s0  }
0xad: {  	[dreg:$0x4] =	wrdreg $0x9  }
0xae: {  	_ =	task.clear_ibuf [dreg:s5], $0x5FFFF;
	_ =	strace $0x90000046  }
0xaf: {  	s26 =	simm.s32 $0x9;
	_ =	strace $0x80000048  }
0xb0: {  	_ =	swait.ge [sflag:s26], $0x1  }
0xb1: {  	[sflag:s26] =	ssyncadd.s32 $0xFFFFFFFF  }
0xb2: {  	_ =	strace $0x90000048  }
0xb3: {  	_ =	sfence  }
0xb4: {  	s28 =	sld [smem:$0x0];
	_ =	sdelay $0x1  }
0xb5: {  	s29 =	srdreg.scid  }
0xb6: {  	s30 =	sshll.u32 s29, $0xD;
	s31 =	sshrl.u32 s29, $0x2  }
0xb7: {  	s2 =	sand.u32 $0x4000, s30;
	s1 =	sand.u32 $0x1, s29;
	s0 =	sadd.s32 s31, s28  }
0xb8: {  	s1 =	sor.u32 s2, s1;
	s0 =	sshll.u32 s0, $0x11  }
0xb9: {  	s0 =	sor.u32 s0, s1  }
0xba: {  	s0 =	sadd.s32 $0x8F2B, s0  }
0xbb: {  	[sflag:s0] =	ssyncadd.remote.s32 $0x1  }
0xbc: {  	_ =	sfence.sel $0xFFFF  }
0xbd: {  	[dreg:$0x0] =	wrdreg $0xFFFFFFFF;
	(pc) =	sbr.abs _section_cstart, $3  }
0xbe: {  	[dreg:$0x1] =	wrdreg $0xFFFFFFFF  }
0xbf: {  	_ =	task.clear_ibuf [dreg:s5], $0x2FFFF;
	_ =	strace $0x9FFFFFFF  }
0xc0: {  	(tm) =	ssettm $0x7FFFFFFF  }
0xc1: {  	_ =	shalt  }
tec
execute0_lowered:
.L_overlay_start_1:
0x0: {  	(tag) =	ssettag $0x1  }
0x1: {  	s0 =	stileid.u32  }
0x2: {  	s6 =	rddreg [dreg:$0x0];
	s1 =	simm.s32 $0x0;
	p0 =	seq.s32 s0, $0x0  }
0x3: {  	s4 =	simm.s32 $0x110;
	s3 =	sshll.u32 s0, $0x8;
	s1 =	simm.s32 @!p0 $0x10  }
0x4: {  	s2 =	rddreg [dreg:$0x1];
	s4 =	simm.s32 @!p0 $0x100;
	s3 =	sor.u32 s3, s1  }
0x5: {  	s7 =	simm.s32 $0x1;
	s30 =	simm.s32 $0x2;
	s5 =	sadd.s32 s4, s3  }
0x6: {  	s31 =	simm.s32 $0x3;
	s12 =	simm.s32 $0x0;
	s5 =	smin.u32 s5, $0x1010  }
0x7: {  	s9 =	simm.s32 $0x0;
	s10 =	simm.s32 $0x0;
	s8 =	ssub.s32 s5, s3  }
0x8: {  	s1 =	rddreg [dreg:$0x2];
	_ =	strace $0x80000047;
	p0 =	sgt.s32 s8, $0x0  }
0x9: {  	s4 =	sadd.s32 $0x800, s6;
	[sflag:s7] =	ssyncpa.u1 $0x0;
	s8 =	simm.s32 @!p0 $0x0  }
0xa: {  	s6 =	sadd.s32 $0x400, s6;
	[sflag:s30] =	ssyncpa.u1 $0x0;
	s7 =	sshrl.u32 s8, $0x4  }
0xb: {  	s11 =	smov.u32 s3;
	[sflag:s31] =	ssyncpa.u1 $0x0;
	s8 =	sadd.s32 $0x1, s7  }
.LBB2_1:
0xc: {  	p0 =	sge.u32 s10, s7  }
0xd: {  	s31 =	sadd.s32 $0xFFFFFFFF, s10;
	s13 =	sxor.u32 @!p0 $0xFFFFFFFF, s9;
	s14 =	sshrl.u32 @!p0 s11, $0x3  }
0xe: {  	s15 =	sand.u32 @!p0 $0x7, s11;
	s13 =	sand.u32 @!p0 $0x10, s13;
	s14 =	sadd.s32 @!p0 s6, s14  }
0xf: {  	[tilespmem:s13], [sflag:$0x2] =	stream.linear.gather @!p0 [hbm4b:s14+s15], $0x10, $0x38;
	[tilespmem:$0x1020] =	vst v63  }
0x10: {  	p0 =	sge.u32 s31, s7  }
0x11: {  	s13 =	simm.s32 @!p0 $0x2  }
0x12: {  	_ =	swait.ge @!p0 [sflag:s13], $0x10  }
0x13: {  	s14 =	sand.u32 @!p0 $0x1, s10;
	[sflag:s13] =	ssyncset.done @!p0 $0x0  }
0x14: {  	[sflag:s13] =	ssyncadd.s32 @!p0 $0xFFFFFFF0;
	s13 =	sshll.u32 @!p0 s14, $0x4  }
0x15: {  	v0 =	vld.msk @!p0 [tilespmem:s13+$0x0 ss:$0x1], $0xffff;
	_ =	sdelay $0x4  }
0x16: {  	vm0 =	vgt.s32 @!p0 v0, $0x0  }
0x17: {  	v0 =	vnsel @!p0 vm0, $0x0, v0  }
0x18: {  	v0 =	vmin.u32 @!p0 v0, $0xFFE  }
0x19: {  	v0 =	vshll.u32 @!p0 v0, $0x4;
	_ =	sdelay $0x2  }
0x1a: {  	s13 =	sshll.u32 @!p0 s14, $0xB  }
0x1b: {  	s14 =	sor.u32 @!p0 $0x20, s13;
	vm0 =	vmmov @!p0 $0xff  }
0x1c: {  	[tilespmem:s14], [sflag:$0x1] =	stream.indirect_vreg.gather @!p0 [hbm:s4], $0x80, v0, vm0, $0x38;
	[tilespmem:$0x1020] =	vst v63  }
0x1d: {  	s15 =	simm.s32 @!p0 $0x1;
	s13 =	sor.u32 @!p0 $0x420, s13;
	vm0 =	vcmask @!p0 $0x3F20  }
0x1e: {  	[tilespmem:s13], [sflag:$0x1] =	stream.indirect_vreg.gather @!p0 [hbm:s4], $0x80, v0, vm0, $0x38;
	[tilespmem:$0x1020] =	vst v63  }
0x1f: {  	_ =	swait.ge @!p0 [sflag:s15], $0x800  }
0x20: {  	s12 =	sshll.u32 @!p0 s12, $0x4;
	[sflag:s15] =	ssyncset.done @!p0 $0x0  }
0x21: {  	s12 =	sadd.s32 @!p0 s2, s12;
	[sflag:s15] =	ssyncadd.s32 @!p0 $0xFFFFF800  }
0x22: {  	[hbm:s12] =	stream.linear.scatter @!p0 [tilespmem:s14], [sflag:$0x3], $0x400, $0x38;
	[tilespmem:$0x1020] =	vst v63  }
0x23: {  	s12 =	sadd.s32 @!p0 $0x80, s12  }
0x24: {  	[hbm:s12] =	stream.linear.scatter @!p0 [tilespmem:s13], [sflag:$0x3], $0x400, $0x38;
	[tilespmem:$0x1020] =	vst v63  }
0x25: {  	s12 =	sadd.s32 $0x10, s11  }
0x26: {  	s14 =	smov.u32 s3;
	p1 =	slt.s32 s12, s5  }
0x27: {  	s14 =	smov.u32 @p1 s12;
	p1 =	sne.s32 s10, s8  }
.Ltmp0:
0x28: {  	p0 =	slt.u32 s10, $0x2;
	(pc) =	sbr.rel @p1 .LBB2_1-.Ltmp0, $4  }
0x29: {  	s13 =	simm.s32 @!p0 $0x3  }
0x2a: {  	_ =	swait.ge @!p0 [sflag:s13], $0x800  }
0x2b: {  	s9 =	sadd.s32 $0x10, s9;
	s12 =	smov.u32 s11;
	[sflag:s13] =	ssyncset.done @!p0 $0x0  }
0x2c: {  	s10 =	sadd.s32 $0x1, s10;
	s11 =	smov.u32 s14;
	[sflag:s13] =	ssyncadd.s32 @!p0 $0xFFFFF800  }
0x2d: {  	_ =	sfence.sel $0x180000  }
0x2e: {  	s2 =	simm.s32 $0x2;
	[bflag:$0x0] =	sbarrier.arrive $0xFFFF  }
0x2f: {  	s30 =	simm.s32 $0x3;
	[sflag:s2] =	ssyncpa.u1 $0x1  }
0x30: {  	s31 =	simm.s32 $0x1;
	[sflag:s30] =	ssyncpa.u1 $0x1  }
0x31: {  	[sflag:s31] =	ssyncpa.u1 $0x1  }
0x32: {  	p0 =	sne.s32 s0, $0x0;
	_ =	strace $0x90000047  }
0x33: {  	s0 =	sadd.s32 @!p0 $0x100000, s1;
	[bflag:$0x2] =	sbarrier.arrive $0xFFFF  }
0x34: {  	[sflag:s0] =	ssyncadd.tile.s32 @!p0 $0x1;
	_ =	shalt  }
.Lfunc_end2:
_tile_overlayer_lowered:
.L_overlay_start_2:
0x35: {  	(tag) =	ssettag $0x2  }
0x36: {  	s0 =	rddreg [dreg:$0x0];
	s2 =	stileid.u32  }
0x37: {  	s1 =	rddreg [dreg:$0x1];
	p0 =	sne.s32 s2, $0x0  }
0x38: {  	s3 =	rddreg [dreg:$0x2];
	[bflag:$0x3] =	sbarrier.arrive $0xFFFF;
	s2 =	simm.s32 @!p0 $0x1C01  }
0x39: {  	[timem:s3], [sflag:s2] =	dma.local @!p0 [hbm:s0], s1  }
0x3a: {  	s0 =	simm.s32 @!p0 $0x1  }
0x3b: {  	_ =	swait.ge @!p0 [sflag:s0], s1  }
0x3c: {  	s1 =	ssub.s32 @!p0 $0x0, s1;
	[sflag:s0] =	ssyncset.done @!p0 $0x0  }
0x3d: {  	[sflag:s0] =	ssyncadd.s32 @!p0 s1  }
0x3e: {  	[bflag:$0x3] =	sbarrier.arrive $0xFFFF  }
0x3f: {  	_ =	shalt  }

// kernel: kernel.3.cloned.1.call-start
scs
__scs_entry_jumppad:
0x0: {  	(pc) =	sbr.rel $0x88, $3  }
0x1: {  	(tag) =	ssettag $0x0;
	lr =	simm.s32 $0x1  }
0x2: {  	[smem:$0x3F9F] =	sst lr;
	_ =	strace $0xD0000000  }
0x3: {  	_ = 	snop  }
0x4: {  	_ = 	snop  }
0x5: {  	_ = 	snop  }
0x6: {  	_ = 	snop  }
0x7: {  	_ = 	snop  }
__scs_overlays_trampoline_lowered:
0x8: {  	[smem:$0x3FAE] =	sst s0  }
0x9: {  	[smem:$0x3FAF] =	sst s1  }
0xa: {  	[smem:$0x3FB0] =	sst s2  }
0xb: {  	[smem:$0x3FB1] =	sst s3  }
0xc: {  	[smem:$0x3FB2] =	sst s4  }
0xd: {  	[smem:$0x3FB3] =	sst s5  }
0xe: {  	[smem:$0x3FB4] =	sst s6  }
0xf: {  	[smem:$0x3FB5] =	sst s7  }
0x10: {  	[smem:$0x3FB6] =	sst s8  }
0x11: {  	[smem:$0x3FB7] =	sst s9;
	s0 =	simm.s32 @!p0 $0x0  }
0x12: {  	s1 =	sld [smem:$0x3F9D];
	s0 =	simm.s32 @p0 $0x1  }
0x13: {  	[smem:$0x3FB8] =	sst s0;
	s0 =	simm.s32 @!p1 $0x0  }
0x14: {  	s2 =	sld [smem:$0x3F9C];
	s0 =	simm.s32 @p1 $0x1  }
0x15: {  	[smem:$0x3FB9] =	sst s0;
	s0 =	simm.s32 @!p2 $0x0  }
0x16: {  	s3 =	sld [smem:$0x3FDB];
	s0 =	simm.s32 @p2 $0x1  }
0x17: {  	s4 =	simm.s32 $0x1BF5;
	[smem:$0x3FBB] =	sst s0  }
0x18: {  	s0 =	sld [smem:$0x3F9E];
	_ =	swait.ge [sflag:s4], $0x0  }
0x19: {  	s7 =	sld [smem:$0x3F9F]  }
0x1a: {  	s8 =	sadd.s32 $0xFFFFE003, lr  }
0x1b: {  	s9 =	sadd.s32 $0xFFFFFEF7, lr;
	s5 =	simm.s32 $0xFFFFFFFF;
	p2 =	slt.u32 s8, $0xFFFFF086  }
0x1c: {  	p1 =	slt.u32 s9, $0xF7A;
	s5 =	simm.s32 @!p2 $0x0  }
0x1d: {  	s5 =	simm.s32 @p1 $0x1;
	p0 =	seq.s32 s7, s2  }
0x1e: {  	s7 =	smul.u32 @!p0 $0xF7A, s2;
	p2 =	seq.s32 @!p0 s5, $0x0  }
0x1f: {  	s9 =	smul.u32 $0xF7A, s1;
	s8 =	simm.s32 @!p0 $0x1BF5;
	p2 =	por !p2, p0  }
0x20: {  	[sflag:s8] =	ssyncset.s32 @!p0 $0xFFFFF086;
	s6 =	sadd.s32 @!p0 s3, s7;
	s7 =	simm.s32 @!p0 $0x108  }
0x21: {  	s3 =	sadd.s32 s3, s9;
	s6 =	sadd.s32 @!p0 $0x88, s6;
	s7 =	simm.s32 @p2 $0x1082  }
0x22: {  	[simem:s7], [sflag:s8] =	dma.local @!p0 [hbm:s6], $0xF7A  }
0x23: {  	s9 =	sor.u32 $0xD0000000, s2;
	s6 =	simm.s32 $0x108;
	_ =	swait.ge @!p0 [sflag:s8], $0x0  }
0x24: {  	s3 =	sadd.s32 $0x88, s3;
	s6 =	simm.s32 @!p1 $0x1082;
	[sflag:s4] =	ssyncset.s32 $0xFFFFF086  }
0x25: {  	[simem:s6], [sflag:s4] =	dma.local [hbm:s3], $0xF7A  }
0x26: {  	[smem:$0x3F9F] =	sst s1;
	(tag) =	ssettag s2;
	_ =	strace s9  }
0x27: {  	s1 =	sld [smem:$0x3FAF]  }
0x28: {  	s2 =	sld [smem:$0x3FB0]  }
0x29: {  	s4 =	sld [smem:$0x3FB2]  }
0x2a: {  	p0 =	seq.s32 s5, $0x0;
	s5 =	sld [smem:$0x3FB3]  }
0x2b: {  	s6 =	sld [smem:$0x3FB4]  }
0x2c: {  	s7 =	sld [smem:$0x3FB5]  }
0x2d: {  	s3 =	simm.s32 $0x108;
	s8 =	sld [smem:$0x3FB6]  }
0x2e: {  	s3 =	simm.s32 @!p0 $0x1082;
	s9 =	sld [smem:$0x3FB7]  }
0x2f: {  	lr =	sadd.s32 s0, s3;
	s0 =	sld [smem:$0x3FAE]  }
0x30: {  	s3 =	sld [smem:$0x3FB1]  }
0x31: {  	[smem:$0x3FBA] =	sst s10  }
0x32: {  	s10 =	sld [smem:$0x3FB8];
	_ =	sdelay $0x3  }
0x33: {  	p0 =	seq.s32 s10, $0x1;
	s10 =	sld [smem:$0x3FBA];
	_ =	sdelay $0x3  }
0x34: {  	[smem:$0x3FBA] =	sst s10  }
0x35: {  	s10 =	sld [smem:$0x3FB9];
	_ =	sdelay $0x3  }
0x36: {  	p1 =	seq.s32 s10, $0x1;
	s10 =	sld [smem:$0x3FBA];
	_ =	sdelay $0x3  }
0x37: {  	[smem:$0x3FBA] =	sst s10  }
0x38: {  	s10 =	sld [smem:$0x3FBB]  }
0x39: {  	_ = 	snop;
	(pc) =	sbr.ind lr, $3  }
0x3a: {  	_ = 	snop  }
0x3b: {  	_ = 	snop  }
0x3c: {  	p2 =	seq.s32 s10, $0x1;
	s10 =	sld [smem:$0x3FBA]  }
0x3d: {  	_ =	shalt  }
0x3e: {  	_ =	shalt  }
0x3f: {  	_ =	shalt  }
0x40: {  	_ =	shalt  }
0x41: {  	_ =	shalt  }
0x42: {  	_ =	shalt  }
0x43: {  	_ =	shalt  }
0x44: {  	_ =	shalt  }
0x45: {  	_ =	shalt  }
0x46: {  	_ =	shalt  }
0x47: {  	_ =	shalt  }
0x48: {  	_ =	shalt  }
0x49: {  	_ =	shalt  }
0x4a: {  	_ =	shalt  }
0x4b: {  	_ =	shalt  }
0x4c: {  	_ =	shalt  }
0x4d: {  	_ =	shalt  }
0x4e: {  	_ =	shalt  }
0x4f: {  	_ =	shalt  }
0x50: {  	_ =	shalt  }
0x51: {  	_ =	shalt  }
0x52: {  	_ =	shalt  }
0x53: {  	_ =	shalt  }
0x54: {  	_ =	shalt  }
0x55: {  	_ =	shalt  }
0x56: {  	_ =	shalt  }
0x57: {  	_ =	shalt  }
0x58: {  	_ =	shalt  }
0x59: {  	_ =	shalt  }
0x5a: {  	_ =	shalt  }
0x5b: {  	_ =	shalt  }
0x5c: {  	_ =	shalt  }
0x5d: {  	_ =	shalt  }
0x5e: {  	_ =	shalt  }
0x5f: {  	_ =	shalt  }
0x60: {  	_ =	shalt  }
0x61: {  	_ =	shalt  }
0x62: {  	_ =	shalt  }
0x63: {  	_ =	shalt  }
0x64: {  	_ =	shalt  }
0x65: {  	_ =	shalt  }
0x66: {  	_ =	shalt  }
0x67: {  	_ =	shalt  }
0x68: {  	_ =	shalt  }
0x69: {  	_ =	shalt  }
0x6a: {  	_ =	shalt  }
0x6b: {  	_ =	shalt  }
0x6c: {  	_ =	shalt  }
0x6d: {  	_ =	shalt  }
0x6e: {  	_ =	shalt  }
0x6f: {  	_ =	shalt  }
0x70: {  	_ =	shalt  }
0x71: {  	_ =	shalt  }
0x72: {  	_ =	shalt  }
0x73: {  	_ =	shalt  }
0x74: {  	_ =	shalt  }
0x75: {  	_ =	shalt  }
0x76: {  	_ =	shalt  }
0x77: {  	_ =	shalt  }
0x78: {  	_ =	shalt  }
0x79: {  	_ =	shalt  }
0x7a: {  	_ =	shalt  }
0x7b: {  	_ =	shalt  }
0x7c: {  	_ =	shalt  }
0x7d: {  	_ =	shalt  }
0x7e: {  	_ =	shalt  }
0x7f: {  	_ =	shalt  }
0x80: {  	_ =	shalt  }
0x81: {  	_ =	shalt  }
0x82: {  	_ =	shalt  }
0x83: {  	_ =	shalt  }
0x84: {  	_ =	shalt  }
0x85: {  	_ =	shalt  }
0x86: {  	_ =	shalt  }
0x87: {  	_ =	shalt  }
.Lfunc_end0:
.L_simem_size_0:
called_computation.1_lowered:
.L_overlay_start_0:
0x88: {  	s2 =	sld [smem:$0x3FD9]  }
0x89: {  	s3 =	sld [smem:$0x3FFE];
	_ =	sdelay $0x1  }
0x8a: {  	s1 =	srdreg.scid  }
0x8b: {  	s0 =	sand.u32 $0x1, s1  }
0x8c: {  	s17 =	sshll.u32 s0, $0xA;
	s2 =	sadd.s32 s3, s2  }
0x8d: {  	s2 =	sadd.s32 s2, s17  }
0x8e: {  	[smem:$0x3FC6] =	sst s2  }
0x8f: {  	_ = 	snop  }
0x90: {  	s2 =	sld [smem:$0x3FD0];
	(tm) =	ssettm $0x1  }
0x91: {  	s18 =	sld [smem:$0x3FFB];
	_ =	sdelay $0x3  }
0x92: {  	_ =	strace s18  }
0x93: {  	s3 =	sld [smem:$0x3FFC];
	_ =	sdelay $0x3  }
0x94: {  	_ =	strace s3  }
0x95: {  	s3 =	sld [smem:$0x3FFD];
	_ =	sdelay $0x3  }
0x96: {  	_ =	strace s3  }
0x97: {  	_ =	strace $0x8FFFFFFF  }
0x98: {  	s19 =	sld [smem:$0x3FDB];
	_ =	sdelay $0x1  }
0x99: {  	s4 =	simm.s32 $_scs_section_size  }
0x9a: {  	s5 =	simm.s32 $_size__tile_overlayer_lowered;
	s6 =	simm.s32 $_tile_overlayer_lowered  }
0x9b: {  	s22 =	simm.s32 $0x1BFF;
	s21 =	sshll.u32 s6, $0x1;
	s3 =	sadd.s32 s4, s19  }
0x9c: {  	s7 =	simm.s32 $0x0;
	s20 =	sshll.u32 s5, $0x1;
	s5 =	sadd.s32 s21, s3  }
0x9d: {  	[timem:s7], [sflag:s22] =	dma.local [hbm:s5], s20  }
0x9e: {  	_ =	swait.ge [sflag:s22], s20  }
0x9f: {  	s4 =	ssub.s32 $0x0, s20;
	[sflag:s22] =	ssyncset.done $0x0  }
0xa0: {  	[sflag:s22] =	ssyncadd.s32 s4;
	_ =	sdelay $0x1  }
0xa1: {  	s23 =	simm.s32 $0x1B8B  }
0xa2: {  	_ =	swait.ge [sflag:s23], $0x1  }
0xa3: {  	[sflag:s23] =	ssyncset.done $0x0  }
0xa4: {  	s25 =	simm.s32 $0x1B8E;
	s24 =	sld [smem:$0x3FFE];
	[sflag:s23] =	ssyncadd.s32 $0xFFFFFFFF  }
0xa5: {  	s26 =	simm.s32 $execute0_lowered;
	[smem:$0x3FD2] =	sst s25  }
0xa6: {  	s5 =	sshll.u32 s26, $0x1;
	_ =	strace $0x80000049;
	[dreg:$0x1] =	wrdreg $0xFFFFFFFF  }
0xa7: {  	s28 =	simm.s32 $_size_execute0_lowered;
	s3 =	sadd.s32 s3, s5;
	[dreg:$0x0] =	wrdreg $0x0  }
0xa8: {  	s5 =	sshll.u32 s28, $0x1;
	[dreg:$0x2] =	wrdreg s3  }
0xa9: {  	[dreg:$0x3] =	wrdreg s5  }
0xaa: {  	[dreg:$0x4] =	wrdreg $0xC0  }
0xab: {  	_ =	task [dreg:s7], $0x5FFFF  }
0xac: {  	[dreg:$0x1] =	wrdreg $0xFFFFFFFF  }
0xad: {  	[dreg:$0x0] =	wrdreg $0x60  }
0xae: {  	[dreg:$0x2] =	wrdreg s2  }
0xaf: {  	[dreg:$0x3] =	wrdreg s24  }
0xb0: {  	[dreg:$0x4] =	wrdreg $0x9  }
0xb1: {  	_ =	task.clear_ibuf [dreg:s7], $0x5FFFF;
	_ =	strace $0x90000049  }
0xb2: {  	s29 =	simm.s32 $0x9;
	_ =	strace $0x8000004B  }
0xb3: {  	_ =	swait.ge [sflag:s29], $0x1  }
0xb4: {  	[sflag:s29] =	ssyncadd.s32 $0xFFFFFFFF  }
0xb5: {  	_ =	strace $0x9000004B  }
0xb6: {  	_ =	sfence  }
0xb7: {  	s30 =	sld [smem:$0x0];
	_ =	sdelay $0x2  }
0xb8: {  	s31 =	sshll.u32 s1, $0xD;
	s1 =	sshrl.u32 s1, $0x2  }
0xb9: {  	s3 =	sand.u32 $0x4000, s31;
	s1 =	sadd.s32 s1, s30  }
0xba: {  	s0 =	sor.u32 s3, s0;
	s1 =	sshll.u32 s1, $0x11  }
0xbb: {  	s0 =	sor.u32 s1, s0  }
0xbc: {  	s0 =	sadd.s32 $0x8F2B, s0  }
0xbd: {  	[sflag:s0] =	ssyncadd.remote.s32 $0x1  }
0xbe: {  	_ =	sfence.sel $0xFFFF  }
0xbf: {  	[dreg:$0x0] =	wrdreg $0xFFFFFFFF;
	(pc) =	sbr.abs _section_cstart, $3  }
0xc0: {  	[dreg:$0x1] =	wrdreg $0xFFFFFFFF  }
0xc1: {  	_ =	task.clear_ibuf [dreg:s7], $0x2FFFF;
	_ =	strace $0x9FFFFFFF  }
0xc2: {  	(tm) =	ssettm $0x7FFFFFFF  }
0xc3: {  	_ =	shalt  }
tec
execute0_lowered:
.L_overlay_start_1:
0x0: {  	(tag) =	ssettag $0x1  }
0x1: {  	s6 =	rddreg [dreg:$0x0]  }
0x2: {  	s2 =	rddreg [dreg:$0x1]  }
0x3: {  	s0 =	rddreg [dreg:$0x2];
	s1 =	simm.s32 $0x0  }
0x4: {  	s4 =	srdreg.scid;
	s15 =	simm.s32 $0x1080;
	s16 =	simm.s32 $0x9080  }
0x5: {  	s17 =	simm.s32 $0x1;
	s18 =	simm.s32 $0x2;
	s19 =	simm.s32 $0x0  }
0x6: {  	[smem:$0x7FF] =	sst s1;
	s3 =	sadd.s32 $0x400, s2;
	s10 =	sand.u32 $0x1, s4  }
0x7: {  	s2 =	stileid.u32;
	_ =	strace $0x8000004A;
	s5 =	ssub.s32 $0x2, s10  }
0x8: {  	s4 =	sshll.u32 s2, $0x16;
	s7 =	sshll.u32 s10, $0x15;
	s9 =	smul.u32 $0x202, s2  }
0x9: {  	s31 =	sshll.u32 s10, $0xC;
	s8 =	sshrl.u32 s5, $0x1;
	s7 =	sor.u32 s7, s4  }
0xa: {  	s13 =	ssub.s32 $0x217C, s31;
	s14 =	ssub.s32 $0x20FC, s31;
	s11 =	ssub.s32 s5, s8  }
0xb: {  	s5 =	sshll.u32 s10, $0xA;
	s7 =	sshrl.u32 s7, $0x3;
	s6 =	sadd.s32 s6, s9  }
0xc: {  	s12 =	sxor.u32 $0x7FF, s5;
	s7 =	sadd.s32 s3, s7;
	s9 =	smax.u32 s11, $0x1  }
0xd: {  	s11 =	sshrl.u32 s13, $0x2;
	s13 =	sshrl.u32 s14, $0x2;
	s14 =	simm.s32 $0x3  }
0xe: {  	s8 =	sadd.s32 $0x1000, s7;
	s10 =	sadd.s32 $0x40, s12;
	s12 =	sadd.s32 $0x20, s12  }
.LBB2_1:
0xf: {  	[tilespmem:s1], [sflag:$0x3] =	stream.linear.gather [hbm4b:s6+s1], $0x1010, $0x38;
	[tilespmem:$0x11080] =	vst v63  }
0x10: {  	_ =	swait.ge [sflag:s14], $0x1010  }
0x11: {  	s20 =	simm.s32 $0x10C0;
	[sflag:s14] =	ssyncset.done $0x0  }
0x12: {  	s21 =	smov.u32 s10;
	s22 =	simm.s32 $0x0;
	[sflag:s14] =	ssyncadd.s32 $0xFFFFEFF0  }
.LBB2_2:
0x13: {  	v3 =	vld [tilespmem:s21+$0x30]  }
0x14: {  	v4 =	vld [tilespmem:s21+$0xFFFFFFD0]  }
0x15: {  	v5 =	vld [tilespmem:s21+$0xFFFFFFE0]  }
0x16: {  	v1 =	vld [tilespmem:s21+$0xFFFFFFF0]  }
0x17: {  	v0 =	vld [tilespmem:s21+$0x0]  }
0x18: {  	v2 =	vld [tilespmem:s21+$0x10];
	[tilespmem:s20+$0x30] =	vst v3  }
0x19: {  	[tilespmem:s20+$0xFFFFFFD0] =	vst v4;
	v4 =	vld [tilespmem:s21+$0x20]  }
0x1a: {  	s24 =	simm.s32 $0x0;
	s25 =	sadd.s32 $0x80, s21;
	s23 =	smov.u32 s20;
	v3 =	vld [tilespmem:s21+$0xFFFFFFC0];
	[tilespmem:s20+$0xFFFFFFE0] =	vst v5  }
.LBB2_3:
0x1b: {  	v5 =	vld [tilespmem:s25+$0x30];
	s24 =	sadd.s32 $0x8, s24;
	[tilespmem:s23+$0xFFFFFFF0] =	vst v1  }
0x1c: {  	v6 =	vld [tilespmem:s25+$0xFFFFFFD0];
	p0 =	slt.u32 s24, $0x78;
	[tilespmem:s23+$0x0] =	vst v0  }
0x1d: {  	v7 =	vld [tilespmem:s25+$0xFFFFFFE0];
	[tilespmem:s23+$0x10] =	vst v2  }
.Ltmp0:
0x1e: {  	v1 =	vld [tilespmem:s25+$0xFFFFFFF0];
	[tilespmem:s23+$0x20] =	vst v4;
	(pc) =	sbr.rel @p0 .LBB2_3-.Ltmp0, $4  }
0x1f: {  	v0 =	vld [tilespmem:s25+$0x0];
	[tilespmem:s23+$0xFFFFFFC0] =	vst v3;
	s23 =	sadd.s32 $0x80, s23  }
0x20: {  	v2 =	vld [tilespmem:s25+$0x10];
	[tilespmem:s23+$0x30] =	vst v5  }
0x21: {  	[tilespmem:s23+$0xFFFFFFD0] =	vst v6;
	v4 =	vld [tilespmem:s25+$0x20]  }
0x22: {  	v3 =	vld [tilespmem:s25+$0xFFFFFFC0];
	[tilespmem:s23+$0xFFFFFFE0] =	vst v7;
	s25 =	sadd.s32 $0x80, s25  }
0x23: {  	s22 =	sadd.s32 $0x1, s22  }
0x24: {  	p0 =	sne.s32 s22, $0x10  }
.Ltmp1:
0x25: {  	[tilespmem:s23+$0xFFFFFFF0] =	vst v1;
	(pc) =	sbr.rel @p0 .LBB2_2-.Ltmp1, $4  }
0x26: {  	[tilespmem:s23+$0x0] =	vst v0  }
0x27: {  	[tilespmem:s23+$0x10] =	vst v2  }
0x28: {  	[tilespmem:s23+$0x20] =	vst v4  }
0x29: {  	s20 =	sadd.s32 $0x800, s20;
	s21 =	sadd.s32 $0xFFFFFFFF, s21;
	[tilespmem:s23+$0xFFFFFFC0] =	vst v3  }
0x2a: {  	s20 =	simm.s32 $0x0;
	s21 =	simm.s32 $0x90C0;
	s22 =	smov.u32 s11  }
0x2b: {  	[hbm4b:s7+s20] =	stream.linear.scatter [tilespmem:s15], [sflag:$0x1], $0x8000, $0x38;
	[tilespmem:$0x11080] =	vst v63  }
.LBB2_6:
0x2c: {  	v3 =	vld [tilespmem:s22+$0x0]  }
0x2d: {  	v4 =	vld [tilespmem:s22+$0xFFFFFFA0]  }
0x2e: {  	v5 =	vld [tilespmem:s22+$0xFFFFFFB0]  }
0x2f: {  	v1 =	vld [tilespmem:s22+$0xFFFFFFC0]  }
0x30: {  	v0 =	vld [tilespmem:s22+$0xFFFFFFD0]  }
0x31: {  	v2 =	vld [tilespmem:s22+$0xFFFFFFE0];
	[tilespmem:s21+$0x30] =	vst v3  }
0x32: {  	[tilespmem:s21+$0xFFFFFFD0] =	vst v4;
	v4 =	vld [tilespmem:s22+$0xFFFFFFF0]  }
0x33: {  	s24 =	simm.s32 $0x0;
	s25 =	sadd.s32 $0x80, s22;
	s23 =	smov.u32 s21;
	v3 =	vld [tilespmem:s22+$0xFFFFFF90];
	[tilespmem:s21+$0xFFFFFFE0] =	vst v5  }
.LBB2_7:
0x34: {  	v5 =	vld [tilespmem:s25+$0x0];
	s24 =	sadd.s32 $0x8, s24;
	[tilespmem:s23+$0xFFFFFFF0] =	vst v1  }
0x35: {  	v6 =	vld [tilespmem:s25+$0xFFFFFFA0];
	p0 =	slt.u32 s24, $0x78;
	[tilespmem:s23+$0x0] =	vst v0  }
0x36: {  	v7 =	vld [tilespmem:s25+$0xFFFFFFB0];
	[tilespmem:s23+$0x10] =	vst v2  }
.Ltmp2:
0x37: {  	v1 =	vld [tilespmem:s25+$0xFFFFFFC0];
	[tilespmem:s23+$0x20] =	vst v4;
	(pc) =	sbr.rel @p0 .LBB2_7-.Ltmp2, $4  }
0x38: {  	v0 =	vld [tilespmem:s25+$0xFFFFFFD0];
	[tilespmem:s23+$0xFFFFFFC0] =	vst v3;
	s23 =	sadd.s32 $0x80, s23  }
0x39: {  	v2 =	vld [tilespmem:s25+$0xFFFFFFE0];
	[tilespmem:s23+$0x30] =	vst v5  }
0x3a: {  	[tilespmem:s23+$0xFFFFFFD0] =	vst v6;
	v4 =	vld [tilespmem:s25+$0xFFFFFFF0]  }
0x3b: {  	v3 =	vld [tilespmem:s25+$0xFFFFFF90];
	[tilespmem:s23+$0xFFFFFFE0] =	vst v7;
	s25 =	sadd.s32 $0x80, s25  }
0x3c: {  	s20 =	sadd.s32 $0x1, s20  }
0x3d: {  	p0 =	sne.s32 s20, $0x10  }
.Ltmp3:
0x3e: {  	[tilespmem:s23+$0xFFFFFFF0] =	vst v1;
	(pc) =	sbr.rel @p0 .LBB2_6-.Ltmp3, $4  }
0x3f: {  	[tilespmem:s23+$0x0] =	vst v0  }
0x40: {  	[tilespmem:s23+$0x10] =	vst v2  }
0x41: {  	[tilespmem:s23+$0x20] =	vst v4  }
0x42: {  	s21 =	sadd.s32 $0x800, s21;
	s22 =	sadd.s32 $0xFFFFFFFF, s22;
	[tilespmem:s23+$0xFFFFFFC0] =	vst v3  }
0x43: {  	[hbm4b:s8+s1] =	stream.linear.scatter [tilespmem:s16], [sflag:$0x2], $0x8000, $0x38;
	[tilespmem:$0x11080] =	vst v63  }
0x44: {  	s20 =	simm.s32 $0x1;
	s21 =	smov.u32 s13;
	s22 =	smov.u32 s12  }
.LBB2_10:
0x45: {  	_ =	swait.ge [sflag:s17], $0x8000  }
0x46: {  	s23 =	sshll.u32 s20, $0x5;
	s24 =	simm.s32 $0x0;
	[sflag:s17] =	ssyncset.done $0x0  }
0x47: {  	s25 =	simm.s32 $0x10C0;
	s26 =	smov.u32 s22;
	[sflag:s17] =	ssyncadd.s32 $0xFFFF8000  }
.LBB2_11:
0x48: {  	v3 =	vld [tilespmem:s26+$0x30]  }
0x49: {  	v4 =	vld [tilespmem:s26+$0xFFFFFFD0]  }
0x4a: {  	v5 =	vld [tilespmem:s26+$0xFFFFFFE0]  }
0x4b: {  	v1 =	vld [tilespmem:s26+$0xFFFFFFF0]  }
0x4c: {  	v0 =	vld [tilespmem:s26+$0x0]  }
0x4d: {  	v2 =	vld [tilespmem:s26+$0x10];
	[tilespmem:s25+$0x30] =	vst v3  }
0x4e: {  	[tilespmem:s25+$0xFFFFFFD0] =	vst v4;
	v4 =	vld [tilespmem:s26+$0x20]  }
0x4f: {  	s29 =	simm.s32 $0x0;
	s30 =	sadd.s32 $0x80, s26;
	s28 =	smov.u32 s25;
	v3 =	vld [tilespmem:s26+$0xFFFFFFC0];
	[tilespmem:s25+$0xFFFFFFE0] =	vst v5  }
.LBB2_12:
0x50: {  	v5 =	vld [tilespmem:s30+$0x30];
	s29 =	sadd.s32 $0x8, s29;
	[tilespmem:s28+$0xFFFFFFF0] =	vst v1  }
0x51: {  	v6 =	vld [tilespmem:s30+$0xFFFFFFD0];
	p0 =	slt.u32 s29, $0x78;
	[tilespmem:s28+$0x0] =	vst v0  }
0x52: {  	v7 =	vld [tilespmem:s30+$0xFFFFFFE0];
	[tilespmem:s28+$0x10] =	vst v2  }
.Ltmp4:
0x53: {  	v1 =	vld [tilespmem:s30+$0xFFFFFFF0];
	[tilespmem:s28+$0x20] =	vst v4;
	(pc) =	sbr.rel @p0 .LBB2_12-.Ltmp4, $4  }
0x54: {  	v0 =	vld [tilespmem:s30+$0x0];
	[tilespmem:s28+$0xFFFFFFC0] =	vst v3;
	s28 =	sadd.s32 $0x80, s28  }
0x55: {  	v2 =	vld [tilespmem:s30+$0x10];
	[tilespmem:s28+$0x30] =	vst v5  }
0x56: {  	[tilespmem:s28+$0xFFFFFFD0] =	vst v6;
	v4 =	vld [tilespmem:s30+$0x20]  }
0x57: {  	v3 =	vld [tilespmem:s30+$0xFFFFFFC0];
	[tilespmem:s28+$0xFFFFFFE0] =	vst v7;
	s30 =	sadd.s32 $0x80, s30  }
0x58: {  	s24 =	sadd.s32 $0x1, s24  }
0x59: {  	p0 =	sne.s32 s24, $0x10  }
.Ltmp5:
0x5a: {  	[tilespmem:s28+$0xFFFFFFF0] =	vst v1;
	(pc) =	sbr.rel @p0 .LBB2_11-.Ltmp5, $4  }
0x5b: {  	[tilespmem:s28+$0x0] =	vst v0  }
0x5c: {  	[tilespmem:s28+$0x10] =	vst v2  }
0x5d: {  	[tilespmem:s28+$0x20] =	vst v4  }
0x5e: {  	s25 =	sadd.s32 $0x800, s25;
	s26 =	sadd.s32 $0xFFFFFFFF, s26;
	[tilespmem:s28+$0xFFFFFFC0] =	vst v3  }
0x5f: {  	s24 =	sadd.s32 s5, s23  }
0x60: {  	s24 =	sshll.u32 s24, $0xB  }
0x61: {  	s24 =	sadd.s32 s4, s24  }
0x62: {  	s24 =	sshrl.u32 s24, $0x3  }
0x63: {  	s25 =	sadd.s32 s3, s24;
	s24 =	simm.s32 $0x0  }
0x64: {  	[hbm4b:s25+s24] =	stream.linear.scatter [tilespmem:s15], [sflag:$0x1], $0x8000, $0x38;
	[tilespmem:$0x11080] =	vst v63  }
0x65: {  	_ =	swait.ge [sflag:s18], $0x8000  }
0x66: {  	[sflag:s18] =	ssyncset.done $0x0  }
0x67: {  	s26 =	smov.u32 s21;
	s25 =	simm.s32 $0x90C0;
	[sflag:s18] =	ssyncadd.s32 $0xFFFF8000  }
.LBB2_15:
0x68: {  	v3 =	vld [tilespmem:s26+$0x0]  }
0x69: {  	v4 =	vld [tilespmem:s26+$0xFFFFFFA0]  }
0x6a: {  	v5 =	vld [tilespmem:s26+$0xFFFFFFB0]  }
0x6b: {  	v1 =	vld [tilespmem:s26+$0xFFFFFFC0]  }
0x6c: {  	v0 =	vld [tilespmem:s26+$0xFFFFFFD0]  }
0x6d: {  	v2 =	vld [tilespmem:s26+$0xFFFFFFE0];
	[tilespmem:s25+$0x30] =	vst v3  }
0x6e: {  	[tilespmem:s25+$0xFFFFFFD0] =	vst v4;
	v4 =	vld [tilespmem:s26+$0xFFFFFFF0]  }
0x6f: {  	s29 =	simm.s32 $0x0;
	s30 =	sadd.s32 $0x80, s26;
	s28 =	smov.u32 s25;
	v3 =	vld [tilespmem:s26+$0xFFFFFF90];
	[tilespmem:s25+$0xFFFFFFE0] =	vst v5  }
.LBB2_16:
0x70: {  	v5 =	vld [tilespmem:s30+$0x0];
	s29 =	sadd.s32 $0x8, s29;
	[tilespmem:s28+$0xFFFFFFF0] =	vst v1  }
0x71: {  	v6 =	vld [tilespmem:s30+$0xFFFFFFA0];
	p0 =	slt.u32 s29, $0x78;
	[tilespmem:s28+$0x0] =	vst v0  }
0x72: {  	v7 =	vld [tilespmem:s30+$0xFFFFFFB0];
	[tilespmem:s28+$0x10] =	vst v2  }
.Ltmp6:
0x73: {  	v1 =	vld [tilespmem:s30+$0xFFFFFFC0];
	[tilespmem:s28+$0x20] =	vst v4;
	(pc) =	sbr.rel @p0 .LBB2_16-.Ltmp6, $4  }
0x74: {  	v0 =	vld [tilespmem:s30+$0xFFFFFFD0];
	[tilespmem:s28+$0xFFFFFFC0] =	vst v3;
	s28 =	sadd.s32 $0x80, s28  }
0x75: {  	v2 =	vld [tilespmem:s30+$0xFFFFFFE0];
	[tilespmem:s28+$0x30] =	vst v5  }
0x76: {  	[tilespmem:s28+$0xFFFFFFD0] =	vst v6;
	v4 =	vld [tilespmem:s30+$0xFFFFFFF0]  }
0x77: {  	v3 =	vld [tilespmem:s30+$0xFFFFFF90];
	[tilespmem:s28+$0xFFFFFFE0] =	vst v7;
	s30 =	sadd.s32 $0x80, s30  }
0x78: {  	s24 =	sadd.s32 $0x1, s24  }
0x79: {  	p0 =	sne.s32 s24, $0x10  }
.Ltmp7:
0x7a: {  	[tilespmem:s28+$0xFFFFFFF0] =	vst v1;
	(pc) =	sbr.rel @p0 .LBB2_15-.Ltmp7, $4  }
0x7b: {  	[tilespmem:s28+$0x0] =	vst v0  }
0x7c: {  	[tilespmem:s28+$0x10] =	vst v2  }
0x7d: {  	[tilespmem:s28+$0x20] =	vst v4  }
0x7e: {  	s25 =	sadd.s32 $0x800, s25;
	s26 =	sadd.s32 $0xFFFFFFFF, s26;
	[tilespmem:s28+$0xFFFFFFC0] =	vst v3  }
0x7f: {  	s23 =	sadd.s32 s23, s5;
	s20 =	sadd.s32 $0x1, s20  }
0x80: {  	s23 =	sshll.u32 s23, $0xB;
	p0 =	sne.s32 s20, $0x20  }
.Ltmp8:
0x81: {  	s23 =	sadd.s32 s4, s23;
	(pc) =	sbr.rel @p0 .LBB2_10-.Ltmp8, $4  }
0x82: {  	s23 =	sadd.s32 $0x8000, s23  }
0x83: {  	s23 =	sshrl.u32 s23, $0x3  }
0x84: {  	s22 =	sadd.s32 $0xFFFFFFE0, s22;
	s21 =	sadd.s32 $0xFFFFFFE0, s21;
	s23 =	sadd.s32 s3, s23  }
0x85: {  	[hbm4b:s23+s1] =	stream.linear.scatter [tilespmem:s16], [sflag:$0x2], $0x8000, $0x38;
	[tilespmem:$0x11080] =	vst v63  }
0x86: {  	s19 =	sadd.s32 $0x1, s19  }
0x87: {  	_ =	swait.ge [sflag:s17], $0x8000;
	p0 =	sne.s32 s19, s9  }
.Ltmp9:
0x88: {  	[sflag:s17] =	ssyncset.done $0x0;
	(pc) =	sbr.rel @p0 .LBB2_1-.Ltmp9, $4  }
0x89: {  	[sflag:s17] =	ssyncadd.s32 $0xFFFF8000  }
0x8a: {  	_ =	swait.ge [sflag:s18], $0x8000  }
0x8b: {  	[sflag:s18] =	ssyncset.done $0x0  }
0x8c: {  	[sflag:s18] =	ssyncadd.s32 $0xFFFF8000  }
0x8d: {  	_ =	sfence.sel $0x180000  }
0x8e: {  	[bflag:$0x0] =	sbarrier.arrive $0xFFFF  }
0x8f: {  	p0 =	sne.s32 s2, $0x0;
	_ =	strace $0x9000004A  }
0x90: {  	s0 =	sadd.s32 @!p0 $0x100000, s0;
	[bflag:$0x2] =	sbarrier.arrive $0xFFFF  }
0x91: {  	[sflag:s0] =	ssyncadd.tile.s32 @!p0 $0x1;
	_ =	shalt  }
.Lfunc_end2:
_tile_overlayer_lowered:
.L_overlay_start_2:
0x92: {  	(tag) =	ssettag $0x2  }
0x93: {  	s0 =	rddreg [dreg:$0x0];
	s2 =	stileid.u32  }
0x94: {  	s1 =	rddreg [dreg:$0x1];
	p0 =	sne.s32 s2, $0x0  }
0x95: {  	s3 =	rddreg [dreg:$0x2];
	[bflag:$0x3] =	sbarrier.arrive $0xFFFF;
	s2 =	simm.s32 @!p0 $0x1C03  }
0x96: {  	[timem:s3], [sflag:s2] =	dma.local @!p0 [hbm:s0], s1  }
0x97: {  	s0 =	simm.s32 @!p0 $0x3  }
0x98: {  	_ =	swait.ge @!p0 [sflag:s0], s1  }
0x99: {  	s1 =	ssub.s32 @!p0 $0x0, s1;
	[sflag:s0] =	ssyncset.done @!p0 $0x0  }
0x9a: {  	[sflag:s0] =	ssyncadd.s32 @!p0 s1  }
0x9b: {  	[bflag:$0x3] =	sbarrier.arrive $0xFFFF  }
0x9c: {  	_ =	shalt  }

</sc_bundles>
